<compile_context>
chip_gen: v7x
topology: tpu7x:2x2x1
jax: 0.10.2.dev20260603
libtpu: 0.0.44.dev20260713+nightly
codegen_flags: <defaults>
</compile_context>

<pallas_src>
import functools

import jax
import jax.numpy as jnp
from jax import lax
from jax.experimental import pallas as pl
from jax.experimental.pallas import tpu as pltpu
from jax.experimental.pallas import tpu_sc as plsc

VOCAB = 100000
DIM = 128
SEQ = 16384

NC = 2
NS = 16
NW = NC * NS
BPW = SEQ // NW
CH = 128
NCH = BPW // CH
NREG = DIM // 16
UNROLL = 1

_mesh = plsc.VectorSubcoreMesh(core_axis_name="c", subcore_axis_name="s")


@functools.partial(
    pl.kernel,
    mesh=_mesh,
    out_type=jax.ShapeDtypeStruct((NW, DIM), jnp.float32),
    scratch_types=[
        pltpu.VMEM((BPW,), jnp.int32),
        pltpu.VMEM((CH, DIM), jnp.float32),
        pltpu.VMEM((CH, DIM), jnp.float32),
        pltpu.VMEM((CH, DIM), jnp.float32),
        pltpu.VMEM((CH, DIM), jnp.float32),
        pltpu.VMEM((DIM,), jnp.float32),
        pltpu.SemaphoreType.DMA,
        pltpu.SemaphoreType.DMA,
        pltpu.SemaphoreType.DMA,
        pltpu.SemaphoreType.DMA,
        pltpu.SemaphoreType.DMA,
        pltpu.SemaphoreType.DMA,
    ],
)
def _sc_pool(idx_hbm, emb_hbm, out_hbm, idx_v, rows0, rows1, rows2, rows3,
             accv, sem0, sem1, sem2, sem3, semi0, semi1):
    wid = lax.axis_index("s") * NC + lax.axis_index("c")
    base = wid * BPW
    cpi0 = pltpu.async_copy(
        idx_hbm.at[pl.ds(base, CH)], idx_v.at[pl.ds(0, CH)], semi0)
    cpi1 = pltpu.async_copy(
        idx_hbm.at[pl.ds(base + CH, BPW - CH)], idx_v.at[pl.ds(CH, BPW - CH)],
        semi1)

    rows = (rows0, rows1, rows2, rows3)
    sems = (sem0, sem1, sem2, sem3)

    def fire(c):
        return pltpu.async_copy(
            emb_hbm.at[idx_v.at[pl.ds(c * CH, CH)]], rows[c % 4], sems[c % 4])

    cpi0.wait()
    cps = [fire(0)]
    cpi1.wait()
    cps.append(fire(1))
    cps.append(fire(2))

    acc = (jnp.zeros((16,), jnp.float32),) * NREG
    for c in range(NCH):
        cps[c].wait()
        if c + 3 < NCH:
            cps.append(fire(c + 3))
        buf = rows[c % 4]

        def step(i, a, buf=buf):
            for k in range(UNROLL):
                a = tuple(a[j] + buf[i * UNROLL + k, pl.ds(j * 16, 16)]
                          for j in range(NREG))
            return a

        acc = lax.fori_loop(0, CH // UNROLL, step, acc)
    for j in range(NREG):
        accv[pl.ds(j * 16, 16)] = acc[j]
    pltpu.sync_copy(accv, out_hbm.at[wid])


def _finish_body(p_ref, w_ref, o_ref):
    pooled = jnp.sum(p_ref[...], axis=0, keepdims=True) * (1.0 / SEQ)
    o_ref[...] = lax.dot_general(
        pooled, w_ref[...],
        dimension_numbers=(((1,), (1,)), ((), ())),
        preferred_element_type=jnp.float32,
    )


_finish = pl.pallas_call(
    _finish_body,
    out_shape=jax.ShapeDtypeStruct((1, DIM), jnp.float32),
)


def kernel(token_ids, embedding, W):
    partials = _sc_pool(token_ids.astype(jnp.int32), embedding)
    return _finish(partials, W)

# --- scband reference (transcript-rebuilt; emitter-appended) ---
"""Pipeline reference for scband-input-adapter-50508815401473 (READ-ONLY COPY).

The authoritative reference and input builder live on the scoring server;
editing this copy changes nothing except your own understanding.
"""

import jax, jax.numpy as jnp
import numpy as np

VOCAB = 100000
DIM = 128
SEQ = 16384

def setup_inputs(seed: int = 0) -> dict:
    key = jax.random.key(seed)
    k_tok, k_emb, k_w = jax.random.split(key, 3)
    token_ids = jax.random.randint(k_tok, (SEQ,), 0, VOCAB, dtype=jnp.int64 if jax.config.jax_enable_x64 else jnp.int32)
    embedding = jax.random.normal(k_emb, (VOCAB, DIM), dtype=jnp.float32)
    W = jax.random.normal(k_w, (DIM, DIM), dtype=jnp.float32) * (1.0 / np.sqrt(DIM))
    return {"token_ids": token_ids, "embedding": embedding, "W": W}

def reference(token_ids, embedding, W):
    # e = self.embedding(tokens)
    e = jnp.take(embedding, token_ids, axis=0)          # [SEQ, DIM] gather
    # pooled = e.mean(dim=0, keepdim=True)
    pooled = jnp.mean(e, axis=0, keepdims=True)          # [1, DIM]
    # return self.compress(pooled)  (nn.Linear, no bias -> x @ W^T)
    out = pooled @ W.T                                   # [1, DIM]
    return out

if __name__ == "__main__":
    import jax
    _d = setup_inputs()
    print(jax.jit(kernel)(*tuple(_d.values())))

</pallas_src>

<mosaic_0001>
#map = affine_map<(d0, d1) -> (0)>
#map1 = affine_map<(d0, d1) -> (0, 0)>
module attributes {stable_mosaic.version = 14 : i64} {
  func.func @_sc_pool(%arg0: i32, %arg1: i32, %arg2: memref<16384xi32, #tpu.memory_space<hbm>>, %arg3: memref<100000x128xf32, #tpu.memory_space<hbm>>, %arg4: memref<32x128xf32, #tpu.memory_space<hbm>>, %arg5: memref<512xi32, #tpu.memory_space<vmem>>, %arg6: memref<128x128xf32, #tpu.memory_space<vmem>>, %arg7: memref<128x128xf32, #tpu.memory_space<vmem>>, %arg8: memref<128x128xf32, #tpu.memory_space<vmem>>, %arg9: memref<128x128xf32, #tpu.memory_space<vmem>>, %arg10: memref<128xf32, #tpu.memory_space<vmem>>, %arg11: memref<!tpu.dma_semaphore, #tpu.memory_space<semaphore_mem>>, %arg12: memref<!tpu.dma_semaphore, #tpu.memory_space<semaphore_mem>>, %arg13: memref<!tpu.dma_semaphore, #tpu.memory_space<semaphore_mem>>, %arg14: memref<!tpu.dma_semaphore, #tpu.memory_space<semaphore_mem>>, %arg15: memref<!tpu.dma_semaphore, #tpu.memory_space<semaphore_mem>>, %arg16: memref<!tpu.dma_semaphore, #tpu.memory_space<semaphore_mem>>) attributes {dimension_semantics = [#tpu.dimension_semantics<core_parallel>, #tpu.dimension_semantics<subcore_parallel>], iteration_bounds = array<i64: 2, 16>, scalar_prefetch = 0 : i64, scratch_operands = 12 : i64, tpu.core_type = #tpu.core_type<sc_vector_subcore>, window_params = [{transform_indices = #map}, {transform_indices = #map1}, {transform_indices = #map1}]} {
    %mul3A = arith.constant 2 : i32
    %mul3A_0 = arith.muli %arg1, %mul3A : i32
    %add3A = arith.addi %mul3A_0, %arg0 : i32
    %mul3A_1 = arith.constant 512 : i32
    %mul3A_2 = arith.muli %add3A, %mul3A_1 : i32
    %dma_start3A = arith.constant 0 : i32
    %dma_start3A_3 = tpu.memref_slice %arg5[%dma_start3A] : memref<512xi32, #tpu.memory_space<vmem>> -> memref<128xi32, #tpu.memory_space<vmem>>
    %dma_start3A_4 = tpu.memref_slice %arg2[%mul3A_2] : memref<16384xi32, #tpu.memory_space<hbm>> -> memref<128xi32, #tpu.memory_space<hbm>>
    %dma_start3A_5 = arith.constant 0 : i32
    %dma_start3A_6 = tpu.memref_slice %arg5[%dma_start3A_5] : memref<512xi32, #tpu.memory_space<vmem>> -> memref<128xi32, #tpu.memory_space<vmem>>
    %dma_start3A_7 = tpu.memref_slice %arg2[%mul3A_2] : memref<16384xi32, #tpu.memory_space<hbm>> -> memref<128xi32, #tpu.memory_space<hbm>>
    tpu.enqueue_dma source(%dma_start3A_7 : memref<128xi32, #tpu.memory_space<hbm>>) target(%dma_start3A_6 : memref<128xi32, #tpu.memory_space<vmem>>) target_semaphore(%arg15 : memref<!tpu.dma_semaphore, #tpu.memory_space<semaphore_mem>>)
    %add3A_8 = arith.constant 128 : i32
    %add3A_9 = arith.addi %mul3A_2, %add3A_8 : i32
    %dma_start3A_10 = arith.constant 128 : i32
    %dma_start3A_11 = tpu.memref_slice %arg5[%dma_start3A_10] : memref<512xi32, #tpu.memory_space<vmem>> -> memref<384xi32, #tpu.memory_space<vmem>>
    %dma_start3A_12 = tpu.memref_slice %arg2[%add3A_9] : memref<16384xi32, #tpu.memory_space<hbm>> -> memref<384xi32, #tpu.memory_space<hbm>>
    %dma_start3A_13 = arith.constant 128 : i32
    %dma_start3A_14 = tpu.memref_slice %arg5[%dma_start3A_13] : memref<512xi32, #tpu.memory_space<vmem>> -> memref<384xi32, #tpu.memory_space<vmem>>
    %dma_start3A_15 = tpu.memref_slice %arg2[%add3A_9] : memref<16384xi32, #tpu.memory_space<hbm>> -> memref<384xi32, #tpu.memory_space<hbm>>
    tpu.enqueue_dma source(%dma_start3A_15 : memref<384xi32, #tpu.memory_space<hbm>>) target(%dma_start3A_14 : memref<384xi32, #tpu.memory_space<vmem>>) target_semaphore(%arg16 : memref<!tpu.dma_semaphore, #tpu.memory_space<semaphore_mem>>)
    %dma_wait3A = arith.constant 0 : i32
    %dma_wait3A_16 = tpu.memref_slice %arg5[%dma_wait3A] : memref<512xi32, #tpu.memory_space<vmem>> -> memref<128xi32, #tpu.memory_space<vmem>>
    %dma_wait3A_17 = tpu.memref_slice %arg2[%mul3A_2] : memref<16384xi32, #tpu.memory_space<hbm>> -> memref<128xi32, #tpu.memory_space<hbm>>
    %dma_wait3A_18 = arith.constant 0 : i32
    %dma_wait3A_19 = tpu.memref_slice %arg5[%dma_wait3A_18] : memref<512xi32, #tpu.memory_space<vmem>> -> memref<128xi32, #tpu.memory_space<vmem>>
    %dma_wait3A_20 = tpu.memref_slice %arg2[%mul3A_2] : memref<16384xi32, #tpu.memory_space<hbm>> -> memref<128xi32, #tpu.memory_space<hbm>>
    tpu.wait_dma2 semaphore(%arg15 : memref<!tpu.dma_semaphore, #tpu.memory_space<semaphore_mem>>) src(%dma_wait3A_20 : memref<128xi32, #tpu.memory_space<hbm>>) dst(%dma_wait3A_19 : memref<128xi32, #tpu.memory_space<vmem>>)
    %dma_start3A_21 = arith.constant 0 : i32
    %dma_start3A_22 = tpu.memref_slice %arg5[%dma_start3A_21] : memref<512xi32, #tpu.memory_space<vmem>> -> memref<128xi32, #tpu.memory_space<vmem>>
    %dma_start3A_23 = arith.constant 0 : i32
    %dma_start3A_24 = arith.constant 0 : i32
    %dma_start3A_25 = tpu.memref_slice %arg3[%dma_start3A_23, %dma_start3A_24] : memref<100000x128xf32, #tpu.memory_space<hbm>> -> memref<100000x128xf32, #tpu.memory_space<hbm>>
    tpu.enqueue_indirect_dma source(%dma_start3A_25 : memref<100000x128xf32, #tpu.memory_space<hbm>>) target(%arg6 : memref<128x128xf32, #tpu.memory_space<vmem>>) offsets(%dma_start3A_22 : memref<128xi32, #tpu.memory_space<vmem>>) semaphore(%arg11 : memref<!tpu.dma_semaphore, #tpu.memory_space<semaphore_mem>>)
    %dma_wait3A_26 = arith.constant 128 : i32
    %dma_wait3A_27 = tpu.memref_slice %arg5[%dma_wait3A_26] : memref<512xi32, #tpu.memory_space<vmem>> -> memref<384xi32, #tpu.memory_space<vmem>>
    %dma_wait3A_28 = tpu.memref_slice %arg2[%add3A_9] : memref<16384xi32, #tpu.memory_space<hbm>> -> memref<384xi32, #tpu.memory_space<hbm>>
    %dma_wait3A_29 = arith.constant 128 : i32
    %dma_wait3A_30 = tpu.memref_slice %arg5[%dma_wait3A_29] : memref<512xi32, #tpu.memory_space<vmem>> -> memref<384xi32, #tpu.memory_space<vmem>>
    %dma_wait3A_31 = tpu.memref_slice %arg2[%add3A_9] : memref<16384xi32, #tpu.memory_space<hbm>> -> memref<384xi32, #tpu.memory_space<hbm>>
    tpu.wait_dma2 semaphore(%arg16 : memref<!tpu.dma_semaphore, #tpu.memory_space<semaphore_mem>>) src(%dma_wait3A_31 : memref<384xi32, #tpu.memory_space<hbm>>) dst(%dma_wait3A_30 : memref<384xi32, #tpu.memory_space<vmem>>)
    %dma_start3A_32 = arith.constant 128 : i32
    %dma_start3A_33 = tpu.memref_slice %arg5[%dma_start3A_32] : memref<512xi32, #tpu.memory_space<vmem>> -> memref<128xi32, #tpu.memory_space<vmem>>
    %dma_start3A_34 = arith.constant 0 : i32
    %dma_start3A_35 = arith.constant 0 : i32
    %dma_start3A_36 = tpu.memref_slice %arg3[%dma_start3A_34, %dma_start3A_35] : memref<100000x128xf32, #tpu.memory_space<hbm>> -> memref<100000x128xf32, #tpu.memory_space<hbm>>
    tpu.enqueue_indirect_dma source(%dma_start3A_36 : memref<100000x128xf32, #tpu.memory_space<hbm>>) target(%arg7 : memref<128x128xf32, #tpu.memory_space<vmem>>) offsets(%dma_start3A_33 : memref<128xi32, #tpu.memory_space<vmem>>) semaphore(%arg12 : memref<!tpu.dma_semaphore, #tpu.memory_space<semaphore_mem>>)
    %dma_start3A_37 = arith.constant 256 : i32
    %dma_start3A_38 = tpu.memref_slice %arg5[%dma_start3A_37] : memref<512xi32, #tpu.memory_space<vmem>> -> memref<128xi32, #tpu.memory_space<vmem>>
    %dma_start3A_39 = arith.constant 0 : i32
    %dma_start3A_40 = arith.constant 0 : i32
    %dma_start3A_41 = tpu.memref_slice %arg3[%dma_start3A_39, %dma_start3A_40] : memref<100000x128xf32, #tpu.memory_space<hbm>> -> memref<100000x128xf32, #tpu.memory_space<hbm>>
    tpu.enqueue_indirect_dma source(%dma_start3A_41 : memref<100000x128xf32, #tpu.memory_space<hbm>>) target(%arg8 : memref<128x128xf32, #tpu.memory_space<vmem>>) offsets(%dma_start3A_38 : memref<128xi32, #tpu.memory_space<vmem>>) semaphore(%arg13 : memref<!tpu.dma_semaphore, #tpu.memory_space<semaphore_mem>>)
    %broadcast_in_dim3A = arith.constant 0.000000e+00 : f32
    %broadcast_in_dim3A_42 = vector.broadcast %broadcast_in_dim3A : f32 to vector<16xf32>
    %dma_wait3A_43 = arith.constant 0 : i32
    %dma_wait3A_44 = tpu.memref_slice %arg5[%dma_wait3A_43] : memref<512xi32, #tpu.memory_space<vmem>> -> memref<128xi32, #tpu.memory_space<vmem>>
    %dma_wait3A_45 = arith.constant 0 : i32
    %dma_wait3A_46 = arith.constant 0 : i32
    %dma_wait3A_47 = tpu.memref_slice %arg3[%dma_wait3A_45, %dma_wait3A_46] : memref<100000x128xf32, #tpu.memory_space<hbm>> -> memref<100000x128xf32, #tpu.memory_space<hbm>>
    tpu.wait_indirect_dma semaphore(%arg11 : memref<!tpu.dma_semaphore, #tpu.memory_space<semaphore_mem>>) src(%dma_wait3A_47 : memref<100000x128xf32, #tpu.memory_space<hbm>>) dst(%arg6 : memref<128x128xf32, #tpu.memory_space<vmem>>)
    %dma_start3A_48 = arith.constant 384 : i32
    %dma_start3A_49 = tpu.memref_slice %arg5[%dma_start3A_48] : memref<512xi32, #tpu.memory_space<vmem>> -> memref<128xi32, #tpu.memory_space<vmem>>
    %dma_start3A_50 = arith.constant 0 : i32
    %dma_start3A_51 = arith.constant 0 : i32
    %dma_start3A_52 = tpu.memref_slice %arg3[%dma_start3A_50, %dma_start3A_51] : memref<100000x128xf32, #tpu.memory_space<hbm>> -> memref<100000x128xf32, #tpu.memory_space<hbm>>
    tpu.enqueue_indirect_dma source(%dma_start3A_52 : memref<100000x128xf32, #tpu.memory_space<hbm>>) target(%arg9 : memref<128x128xf32, #tpu.memory_space<vmem>>) offsets(%dma_start3A_49 : memref<128xi32, #tpu.memory_space<vmem>>) semaphore(%arg14 : memref<!tpu.dma_semaphore, #tpu.memory_space<semaphore_mem>>)
    %scan3A = arith.constant 0 : i32
    %scan3A_53 = arith.constant 128 : i32
    %scan3A_54 = arith.addi %scan3A, %scan3A_53 : i32
    %scan3A_55 = arith.constant 1 : i32
    %scan3A_56:8 = scf.for %scan3A_122 = %scan3A to %scan3A_54 step %scan3A_55 iter_args(%scan3A_123 = %broadcast_in_dim3A_42, %scan3A_124 = %broadcast_in_dim3A_42, %scan3A_125 = %broadcast_in_dim3A_42, %scan3A_126 = %broadcast_in_dim3A_42, %scan3A_127 = %broadcast_in_dim3A_42, %scan3A_128 = %broadcast_in_dim3A_42, %scan3A_129 = %broadcast_in_dim3A_42, %scan3A_130 = %broadcast_in_dim3A_42) -> (vector<16xf32>, vector<16xf32>, vector<16xf32>, vector<16xf32>, vector<16xf32>, vector<16xf32>, vector<16xf32>, vector<16xf32>)  : i32 {
      %mul3A_131 = arith.constant 1 : i32
      %mul3A_132 = arith.muli %scan3A_122, %mul3A_131 : i32
      %add3A_133 = arith.constant 0 : i32
      %add3A_134 = arith.addi %mul3A_132, %add3A_133 : i32
      %get3A = arith.index_cast %add3A_134 : i32 to index
      %get3A_135 = arith.constant 0 : index
      %get3A_136 = tpu.vector_load %arg6[%get3A, %get3A_135] {strides = array<i32>} : memref<128x128xf32, #tpu.memory_space<vmem>>, vector<1x16xf32>,
      %get3A_137 = vector.shape_cast %get3A_136 : vector<1x16xf32> to vector<16xf32>
      %add3A_138 = arith.addf %scan3A_123, %get3A_137 : vector<16xf32>
      %mul3A_139 = arith.constant 1 : i32
      %mul3A_140 = arith.muli %scan3A_122, %mul3A_139 : i32
      %add3A_141 = arith.constant 0 : i32
      %add3A_142 = arith.addi %mul3A_140, %add3A_141 : i32
      %get3A_143 = arith.index_cast %add3A_142 : i32 to index
      %get3A_144 = arith.constant 16 : index
      %get3A_145 = tpu.vector_load %arg6[%get3A_143, %get3A_144] {strides = array<i32>} : memref<128x128xf32, #tpu.memory_space<vmem>>, vector<1x16xf32>,
      %get3A_146 = vector.shape_cast %get3A_145 : vector<1x16xf32> to vector<16xf32>
      %add3A_147 = arith.addf %scan3A_124, %get3A_146 : vector<16xf32>
      %mul3A_148 = arith.constant 1 : i32
      %mul3A_149 = arith.muli %scan3A_122, %mul3A_148 : i32
      %add3A_150 = arith.constant 0 : i32
      %add3A_151 = arith.addi %mul3A_149, %add3A_150 : i32
      %get3A_152 = arith.index_cast %add3A_151 : i32 to index
      %get3A_153 = arith.constant 32 : index
      %get3A_154 = tpu.vector_load %arg6[%get3A_152, %get3A_153] {strides = array<i32>} : memref<128x128xf32, #tpu.memory_space<vmem>>, vector<1x16xf32>,
      %get3A_155 = vector.shape_cast %get3A_154 : vector<1x16xf32> to vector<16xf32>
      %add3A_156 = arith.addf %scan3A_125, %get3A_155 : vector<16xf32>
      %mul3A_157 = arith.constant 1 : i32
      %mul3A_158 = arith.muli %scan3A_122, %mul3A_157 : i32
      %add3A_159 = arith.constant 0 : i32
      %add3A_160 = arith.addi %mul3A_158, %add3A_159 : i32
      %get3A_161 = arith.index_cast %add3A_160 : i32 to index
      %get3A_162 = arith.constant 48 : index
      %get3A_163 = tpu.vector_load %arg6[%get3A_161, %get3A_162] {strides = array<i32>} : memref<128x128xf32, #tpu.memory_space<vmem>>, vector<1x16xf32>,
      %get3A_164 = vector.shape_cast %get3A_163 : vector<1x16xf32> to vector<16xf32>
      %add3A_165 = arith.addf %scan3A_126, %get3A_164 : vector<16xf32>
      %mul3A_166 = arith.constant 1 : i32
      %mul3A_167 = arith.muli %scan3A_122, %mul3A_166 : i32
      %add3A_168 = arith.constant 0 : i32
      %add3A_169 = arith.addi %mul3A_167, %add3A_168 : i32
      %get3A_170 = arith.index_cast %add3A_169 : i32 to index
      %get3A_171 = arith.constant 64 : index
      %get3A_172 = tpu.vector_load %arg6[%get3A_170, %get3A_171] {strides = array<i32>} : memref<128x128xf32, #tpu.memory_space<vmem>>, vector<1x16xf32>,
      %get3A_173 = vector.shape_cast %get3A_172 : vector<1x16xf32> to vector<16xf32>
      %add3A_174 = arith.addf %scan3A_127, %get3A_173 : vector<16xf32>
      %mul3A_175 = arith.constant 1 : i32
      %mul3A_176 = arith.muli %scan3A_122, %mul3A_175 : i32
      %add3A_177 = arith.constant 0 : i32
      %add3A_178 = arith.addi %mul3A_176, %add3A_177 : i32
      %get3A_179 = arith.index_cast %add3A_178 : i32 to index
      %get3A_180 = arith.constant 80 : index
      %get3A_181 = tpu.vector_load %arg6[%get3A_179, %get3A_180] {strides = array<i32>} : memref<128x128xf32, #tpu.memory_space<vmem>>, vector<1x16xf32>,
      %get3A_182 = vector.shape_cast %get3A_181 : vector<1x16xf32> to vector<16xf32>
      %add3A_183 = arith.addf %scan3A_128, %get3A_182 : vector<16xf32>
      %mul3A_184 = arith.constant 1 : i32
      %mul3A_185 = arith.muli %scan3A_122, %mul3A_184 : i32
      %add3A_186 = arith.constant 0 : i32
      %add3A_187 = arith.addi %mul3A_185, %add3A_186 : i32
      %get3A_188 = arith.index_cast %add3A_187 : i32 to index
      %get3A_189 = arith.constant 96 : index
      %get3A_190 = tpu.vector_load %arg6[%get3A_188, %get3A_189] {strides = array<i32>} : memref<128x128xf32, #tpu.memory_space<vmem>>, vector<1x16xf32>,
      %get3A_191 = vector.shape_cast %get3A_190 : vector<1x16xf32> to vector<16xf32>
      %add3A_192 = arith.addf %scan3A_129, %get3A_191 : vector<16xf32>
      %mul3A_193 = arith.constant 1 : i32
      %mul3A_194 = arith.muli %scan3A_122, %mul3A_193 : i32
      %add3A_195 = arith.constant 0 : i32
      %add3A_196 = arith.addi %mul3A_194, %add3A_195 : i32
      %get3A_197 = arith.index_cast %add3A_196 : i32 to index
      %get3A_198 = arith.constant 112 : index
      %get3A_199 = tpu.vector_load %arg6[%get3A_197, %get3A_198] {strides = array<i32>} : memref<128x128xf32, #tpu.memory_space<vmem>>, vector<1x16xf32>,
      %get3A_200 = vector.shape_cast %get3A_199 : vector<1x16xf32> to vector<16xf32>
      %add3A_201 = arith.addf %scan3A_130, %get3A_200 : vector<16xf32>
      scf.yield %add3A_138, %add3A_147, %add3A_156, %add3A_165, %add3A_174, %add3A_183, %add3A_192, %add3A_201 : vector<16xf32>, vector<16xf32>, vector<16xf32>, vector<16xf32>, vector<16xf32>, vector<16xf32>, vector<16xf32>, vector<16xf32>
    }
    %scan3A_57 = arith.constant 128 : i32
    %dma_wait3A_58 = arith.constant 128 : i32
    %dma_wait3A_59 = tpu.memref_slice %arg5[%dma_wait3A_58] : memref<512xi32, #tpu.memory_space<vmem>> -> memref<128xi32, #tpu.memory_space<vmem>>
    %dma_wait3A_60 = arith.constant 0 : i32
    %dma_wait3A_61 = arith.constant 0 : i32
    %dma_wait3A_62 = tpu.memref_slice %arg3[%dma_wait3A_60, %dma_wait3A_61] : memref<100000x128xf32, #tpu.memory_space<hbm>> -> memref<100000x128xf32, #tpu.memory_space<hbm>>
    tpu.wait_indirect_dma semaphore(%arg12 : memref<!tpu.dma_semaphore, #tpu.memory_space<semaphore_mem>>) src(%dma_wait3A_62 : memref<100000x128xf32, #tpu.memory_space<hbm>>) dst(%arg7 : memref<128x128xf32, #tpu.memory_space<vmem>>)
    %scan3A_63 = arith.constant 0 : i32
    %scan3A_64 = arith.constant 128 : i32
    %scan3A_65 = arith.addi %scan3A_63, %scan3A_64 : i32
    %scan3A_66 = arith.constant 1 : i32
    %scan3A_67:8 = scf.for %scan3A_122 = %scan3A_63 to %scan3A_65 step %scan3A_66 iter_args(%scan3A_123 = %scan3A_56#0, %scan3A_124 = %scan3A_56#1, %scan3A_125 = %scan3A_56#2, %scan3A_126 = %scan3A_56#3, %scan3A_127 = %scan3A_56#4, %scan3A_128 = %scan3A_56#5, %scan3A_129 = %scan3A_56#6, %scan3A_130 = %scan3A_56#7) -> (vector<16xf32>, vector<16xf32>, vector<16xf32>, vector<16xf32>, vector<16xf32>, vector<16xf32>, vector<16xf32>, vector<16xf32>)  : i32 {
      %mul3A_131 = arith.constant 1 : i32
      %mul3A_132 = arith.muli %scan3A_122, %mul3A_131 : i32
      %add3A_133 = arith.constant 0 : i32
      %add3A_134 = arith.addi %mul3A_132, %add3A_133 : i32
      %get3A = arith.index_cast %add3A_134 : i32 to index
      %get3A_135 = arith.constant 0 : index
      %get3A_136 = tpu.vector_load %arg7[%get3A, %get3A_135] {strides = array<i32>} : memref<128x128xf32, #tpu.memory_space<vmem>>, vector<1x16xf32>,
      %get3A_137 = vector.shape_cast %get3A_136 : vector<1x16xf32> to vector<16xf32>
      %add3A_138 = arith.addf %scan3A_123, %get3A_137 : vector<16xf32>
      %mul3A_139 = arith.constant 1 : i32
      %mul3A_140 = arith.muli %scan3A_122, %mul3A_139 : i32
      %add3A_141 = arith.constant 0 : i32
      %add3A_142 = arith.addi %mul3A_140, %add3A_141 : i32
      %get3A_143 = arith.index_cast %add3A_142 : i32 to index
      %get3A_144 = arith.constant 16 : index
      %get3A_145 = tpu.vector_load %arg7[%get3A_143, %get3A_144] {strides = array<i32>} : memref<128x128xf32, #tpu.memory_space<vmem>>, vector<1x16xf32>,
      %get3A_146 = vector.shape_cast %get3A_145 : vector<1x16xf32> to vector<16xf32>
      %add3A_147 = arith.addf %scan3A_124, %get3A_146 : vector<16xf32>
      %mul3A_148 = arith.constant 1 : i32
      %mul3A_149 = arith.muli %scan3A_122, %mul3A_148 : i32
      %add3A_150 = arith.constant 0 : i32
      %add3A_151 = arith.addi %mul3A_149, %add3A_150 : i32
      %get3A_152 = arith.index_cast %add3A_151 : i32 to index
      %get3A_153 = arith.constant 32 : index
      %get3A_154 = tpu.vector_load %arg7[%get3A_152, %get3A_153] {strides = array<i32>} : memref<128x128xf32, #tpu.memory_space<vmem>>, vector<1x16xf32>,
      %get3A_155 = vector.shape_cast %get3A_154 : vector<1x16xf32> to vector<16xf32>
      %add3A_156 = arith.addf %scan3A_125, %get3A_155 : vector<16xf32>
      %mul3A_157 = arith.constant 1 : i32
      %mul3A_158 = arith.muli %scan3A_122, %mul3A_157 : i32
      %add3A_159 = arith.constant 0 : i32
      %add3A_160 = arith.addi %mul3A_158, %add3A_159 : i32
      %get3A_161 = arith.index_cast %add3A_160 : i32 to index
      %get3A_162 = arith.constant 48 : index
      %get3A_163 = tpu.vector_load %arg7[%get3A_161, %get3A_162] {strides = array<i32>} : memref<128x128xf32, #tpu.memory_space<vmem>>, vector<1x16xf32>,
      %get3A_164 = vector.shape_cast %get3A_163 : vector<1x16xf32> to vector<16xf32>
      %add3A_165 = arith.addf %scan3A_126, %get3A_164 : vector<16xf32>
      %mul3A_166 = arith.constant 1 : i32
      %mul3A_167 = arith.muli %scan3A_122, %mul3A_166 : i32
      %add3A_168 = arith.constant 0 : i32
      %add3A_169 = arith.addi %mul3A_167, %add3A_168 : i32
      %get3A_170 = arith.index_cast %add3A_169 : i32 to index
      %get3A_171 = arith.constant 64 : index
      %get3A_172 = tpu.vector_load %arg7[%get3A_170, %get3A_171] {strides = array<i32>} : memref<128x128xf32, #tpu.memory_space<vmem>>, vector<1x16xf32>,
      %get3A_173 = vector.shape_cast %get3A_172 : vector<1x16xf32> to vector<16xf32>
      %add3A_174 = arith.addf %scan3A_127, %get3A_173 : vector<16xf32>
      %mul3A_175 = arith.constant 1 : i32
      %mul3A_176 = arith.muli %scan3A_122, %mul3A_175 : i32
      %add3A_177 = arith.constant 0 : i32
      %add3A_178 = arith.addi %mul3A_176, %add3A_177 : i32
      %get3A_179 = arith.index_cast %add3A_178 : i32 to index
      %get3A_180 = arith.constant 80 : index
      %get3A_181 = tpu.vector_load %arg7[%get3A_179, %get3A_180] {strides = array<i32>} : memref<128x128xf32, #tpu.memory_space<vmem>>, vector<1x16xf32>,
      %get3A_182 = vector.shape_cast %get3A_181 : vector<1x16xf32> to vector<16xf32>
      %add3A_183 = arith.addf %scan3A_128, %get3A_182 : vector<16xf32>
      %mul3A_184 = arith.constant 1 : i32
      %mul3A_185 = arith.muli %scan3A_122, %mul3A_184 : i32
      %add3A_186 = arith.constant 0 : i32
      %add3A_187 = arith.addi %mul3A_185, %add3A_186 : i32
      %get3A_188 = arith.index_cast %add3A_187 : i32 to index
      %get3A_189 = arith.constant 96 : index
      %get3A_190 = tpu.vector_load %arg7[%get3A_188, %get3A_189] {strides = array<i32>} : memref<128x128xf32, #tpu.memory_space<vmem>>, vector<1x16xf32>,
      %get3A_191 = vector.shape_cast %get3A_190 : vector<1x16xf32> to vector<16xf32>
      %add3A_192 = arith.addf %scan3A_129, %get3A_191 : vector<16xf32>
      %mul3A_193 = arith.constant 1 : i32
      %mul3A_194 = arith.muli %scan3A_122, %mul3A_193 : i32
      %add3A_195 = arith.constant 0 : i32
      %add3A_196 = arith.addi %mul3A_194, %add3A_195 : i32
      %get3A_197 = arith.index_cast %add3A_196 : i32 to index
      %get3A_198 = arith.constant 112 : index
      %get3A_199 = tpu.vector_load %arg7[%get3A_197, %get3A_198] {strides = array<i32>} : memref<128x128xf32, #tpu.memory_space<vmem>>, vector<1x16xf32>,
      %get3A_200 = vector.shape_cast %get3A_199 : vector<1x16xf32> to vector<16xf32>
      %add3A_201 = arith.addf %scan3A_130, %get3A_200 : vector<16xf32>
      scf.yield %add3A_138, %add3A_147, %add3A_156, %add3A_165, %add3A_174, %add3A_183, %add3A_192, %add3A_201 : vector<16xf32>, vector<16xf32>, vector<16xf32>, vector<16xf32>, vector<16xf32>, vector<16xf32>, vector<16xf32>, vector<16xf32>
    }
    %scan3A_68 = arith.constant 128 : i32
    %dma_wait3A_69 = arith.constant 256 : i32
    %dma_wait3A_70 = tpu.memref_slice %arg5[%dma_wait3A_69] : memref<512xi32, #tpu.memory_space<vmem>> -> memref<128xi32, #tpu.memory_space<vmem>>
    %dma_wait3A_71 = arith.constant 0 : i32
    %dma_wait3A_72 = arith.constant 0 : i32
    %dma_wait3A_73 = tpu.memref_slice %arg3[%dma_wait3A_71, %dma_wait3A_72] : memref<100000x128xf32, #tpu.memory_space<hbm>> -> memref<100000x128xf32, #tpu.memory_space<hbm>>
    tpu.wait_indirect_dma semaphore(%arg13 : memref<!tpu.dma_semaphore, #tpu.memory_space<semaphore_mem>>) src(%dma_wait3A_73 : memref<100000x128xf32, #tpu.memory_space<hbm>>) dst(%arg8 : memref<128x128xf32, #tpu.memory_space<vmem>>)
    %scan3A_74 = arith.constant 0 : i32
    %scan3A_75 = arith.constant 128 : i32
    %scan3A_76 = arith.addi %scan3A_74, %scan3A_75 : i32
    %scan3A_77 = arith.constant 1 : i32
    %scan3A_78:8 = scf.for %scan3A_122 = %scan3A_74 to %scan3A_76 step %scan3A_77 iter_args(%scan3A_123 = %scan3A_67#0, %scan3A_124 = %scan3A_67#1, %scan3A_125 = %scan3A_67#2, %scan3A_126 = %scan3A_67#3, %scan3A_127 = %scan3A_67#4, %scan3A_128 = %scan3A_67#5, %scan3A_129 = %scan3A_67#6, %scan3A_130 = %scan3A_67#7) -> (vector<16xf32>, vector<16xf32>, vector<16xf32>, vector<16xf32>, vector<16xf32>, vector<16xf32>, vector<16xf32>, vector<16xf32>)  : i32 {
      %mul3A_131 = arith.constant 1 : i32
      %mul3A_132 = arith.muli %scan3A_122, %mul3A_131 : i32
      %add3A_133 = arith.constant 0 : i32
      %add3A_134 = arith.addi %mul3A_132, %add3A_133 : i32
      %get3A = arith.index_cast %add3A_134 : i32 to index
      %get3A_135 = arith.constant 0 : index
      %get3A_136 = tpu.vector_load %arg8[%get3A, %get3A_135] {strides = array<i32>} : memref<128x128xf32, #tpu.memory_space<vmem>>, vector<1x16xf32>,
      %get3A_137 = vector.shape_cast %get3A_136 : vector<1x16xf32> to vector<16xf32>
      %add3A_138 = arith.addf %scan3A_123, %get3A_137 : vector<16xf32>
      %mul3A_139 = arith.constant 1 : i32
      %mul3A_140 = arith.muli %scan3A_122, %mul3A_139 : i32
      %add3A_141 = arith.constant 0 : i32
      %add3A_142 = arith.addi %mul3A_140, %add3A_141 : i32
      %get3A_143 = arith.index_cast %add3A_142 : i32 to index
      %get3A_144 = arith.constant 16 : index
      %get3A_145 = tpu.vector_load %arg8[%get3A_143, %get3A_144] {strides = array<i32>} : memref<128x128xf32, #tpu.memory_space<vmem>>, vector<1x16xf32>,
      %get3A_146 = vector.shape_cast %get3A_145 : vector<1x16xf32> to vector<16xf32>
      %add3A_147 = arith.addf %scan3A_124, %get3A_146 : vector<16xf32>
      %mul3A_148 = arith.constant 1 : i32
      %mul3A_149 = arith.muli %scan3A_122, %mul3A_148 : i32
      %add3A_150 = arith.constant 0 : i32
      %add3A_151 = arith.addi %mul3A_149, %add3A_150 : i32
      %get3A_152 = arith.index_cast %add3A_151 : i32 to index
      %get3A_153 = arith.constant 32 : index
      %get3A_154 = tpu.vector_load %arg8[%get3A_152, %get3A_153] {strides = array<i32>} : memref<128x128xf32, #tpu.memory_space<vmem>>, vector<1x16xf32>,
      %get3A_155 = vector.shape_cast %get3A_154 : vector<1x16xf32> to vector<16xf32>
      %add3A_156 = arith.addf %scan3A_125, %get3A_155 : vector<16xf32>
      %mul3A_157 = arith.constant 1 : i32
      %mul3A_158 = arith.muli %scan3A_122, %mul3A_157 : i32
      %add3A_159 = arith.constant 0 : i32
      %add3A_160 = arith.addi %mul3A_158, %add3A_159 : i32
      %get3A_161 = arith.index_cast %add3A_160 : i32 to index
      %get3A_162 = arith.constant 48 : index
      %get3A_163 = tpu.vector_load %arg8[%get3A_161, %get3A_162] {strides = array<i32>} : memref<128x128xf32, #tpu.memory_space<vmem>>, vector<1x16xf32>,
      %get3A_164 = vector.shape_cast %get3A_163 : vector<1x16xf32> to vector<16xf32>
      %add3A_165 = arith.addf %scan3A_126, %get3A_164 : vector<16xf32>
      %mul3A_166 = arith.constant 1 : i32
      %mul3A_167 = arith.muli %scan3A_122, %mul3A_166 : i32
      %add3A_168 = arith.constant 0 : i32
      %add3A_169 = arith.addi %mul3A_167, %add3A_168 : i32
      %get3A_170 = arith.index_cast %add3A_169 : i32 to index
      %get3A_171 = arith.constant 64 : index
      %get3A_172 = tpu.vector_load %arg8[%get3A_170, %get3A_171] {strides = array<i32>} : memref<128x128xf32, #tpu.memory_space<vmem>>, vector<1x16xf32>,
      %get3A_173 = vector.shape_cast %get3A_172 : vector<1x16xf32> to vector<16xf32>
      %add3A_174 = arith.addf %scan3A_127, %get3A_173 : vector<16xf32>
      %mul3A_175 = arith.constant 1 : i32
      %mul3A_176 = arith.muli %scan3A_122, %mul3A_175 : i32
      %add3A_177 = arith.constant 0 : i32
      %add3A_178 = arith.addi %mul3A_176, %add3A_177 : i32
      %get3A_179 = arith.index_cast %add3A_178 : i32 to index
      %get3A_180 = arith.constant 80 : index
      %get3A_181 = tpu.vector_load %arg8[%get3A_179, %get3A_180] {strides = array<i32>} : memref<128x128xf32, #tpu.memory_space<vmem>>, vector<1x16xf32>,
      %get3A_182 = vector.shape_cast %get3A_181 : vector<1x16xf32> to vector<16xf32>
      %add3A_183 = arith.addf %scan3A_128, %get3A_182 : vector<16xf32>
      %mul3A_184 = arith.constant 1 : i32
      %mul3A_185 = arith.muli %scan3A_122, %mul3A_184 : i32
      %add3A_186 = arith.constant 0 : i32
      %add3A_187 = arith.addi %mul3A_185, %add3A_186 : i32
      %get3A_188 = arith.index_cast %add3A_187 : i32 to index
      %get3A_189 = arith.constant 96 : index
      %get3A_190 = tpu.vector_load %arg8[%get3A_188, %get3A_189] {strides = array<i32>} : memref<128x128xf32, #tpu.memory_space<vmem>>, vector<1x16xf32>,
      %get3A_191 = vector.shape_cast %get3A_190 : vector<1x16xf32> to vector<16xf32>
      %add3A_192 = arith.addf %scan3A_129, %get3A_191 : vector<16xf32>
      %mul3A_193 = arith.constant 1 : i32
      %mul3A_194 = arith.muli %scan3A_122, %mul3A_193 : i32
      %add3A_195 = arith.constant 0 : i32
      %add3A_196 = arith.addi %mul3A_194, %add3A_195 : i32
      %get3A_197 = arith.index_cast %add3A_196 : i32 to index
      %get3A_198 = arith.constant 112 : index
      %get3A_199 = tpu.vector_load %arg8[%get3A_197, %get3A_198] {strides = array<i32>} : memref<128x128xf32, #tpu.memory_space<vmem>>, vector<1x16xf32>,
      %get3A_200 = vector.shape_cast %get3A_199 : vector<1x16xf32> to vector<16xf32>
      %add3A_201 = arith.addf %scan3A_130, %get3A_200 : vector<16xf32>
      scf.yield %add3A_138, %add3A_147, %add3A_156, %add3A_165, %add3A_174, %add3A_183, %add3A_192, %add3A_201 : vector<16xf32>, vector<16xf32>, vector<16xf32>, vector<16xf32>, vector<16xf32>, vector<16xf32>, vector<16xf32>, vector<16xf32>
    }
    %scan3A_79 = arith.constant 128 : i32
    %dma_wait3A_80 = arith.constant 384 : i32
    %dma_wait3A_81 = tpu.memref_slice %arg5[%dma_wait3A_80] : memref<512xi32, #tpu.memory_space<vmem>> -> memref<128xi32, #tpu.memory_space<vmem>>
    %dma_wait3A_82 = arith.constant 0 : i32
    %dma_wait3A_83 = arith.constant 0 : i32
    %dma_wait3A_84 = tpu.memref_slice %arg3[%dma_wait3A_82, %dma_wait3A_83] : memref<100000x128xf32, #tpu.memory_space<hbm>> -> memref<100000x128xf32, #tpu.memory_space<hbm>>
    tpu.wait_indirect_dma semaphore(%arg14 : memref<!tpu.dma_semaphore, #tpu.memory_space<semaphore_mem>>) src(%dma_wait3A_84 : memref<100000x128xf32, #tpu.memory_space<hbm>>) dst(%arg9 : memref<128x128xf32, #tpu.memory_space<vmem>>)
    %scan3A_85 = arith.constant 0 : i32
    %scan3A_86 = arith.constant 128 : i32
    %scan3A_87 = arith.addi %scan3A_85, %scan3A_86 : i32
    %scan3A_88 = arith.constant 1 : i32
    %scan3A_89:8 = scf.for %scan3A_122 = %scan3A_85 to %scan3A_87 step %scan3A_88 iter_args(%scan3A_123 = %scan3A_78#0, %scan3A_124 = %scan3A_78#1, %scan3A_125 = %scan3A_78#2, %scan3A_126 = %scan3A_78#3, %scan3A_127 = %scan3A_78#4, %scan3A_128 = %scan3A_78#5, %scan3A_129 = %scan3A_78#6, %scan3A_130 = %scan3A_78#7) -> (vector<16xf32>, vector<16xf32>, vector<16xf32>, vector<16xf32>, vector<16xf32>, vector<16xf32>, vector<16xf32>, vector<16xf32>)  : i32 {
      %mul3A_131 = arith.constant 1 : i32
      %mul3A_132 = arith.muli %scan3A_122, %mul3A_131 : i32
      %add3A_133 = arith.constant 0 : i32
      %add3A_134 = arith.addi %mul3A_132, %add3A_133 : i32
      %get3A = arith.index_cast %add3A_134 : i32 to index
      %get3A_135 = arith.constant 0 : index
      %get3A_136 = tpu.vector_load %arg9[%get3A, %get3A_135] {strides = array<i32>} : memref<128x128xf32, #tpu.memory_space<vmem>>, vector<1x16xf32>,
      %get3A_137 = vector.shape_cast %get3A_136 : vector<1x16xf32> to vector<16xf32>
      %add3A_138 = arith.addf %scan3A_123, %get3A_137 : vector<16xf32>
      %mul3A_139 = arith.constant 1 : i32
      %mul3A_140 = arith.muli %scan3A_122, %mul3A_139 : i32
      %add3A_141 = arith.constant 0 : i32
      %add3A_142 = arith.addi %mul3A_140, %add3A_141 : i32
      %get3A_143 = arith.index_cast %add3A_142 : i32 to index
      %get3A_144 = arith.constant 16 : index
      %get3A_145 = tpu.vector_load %arg9[%get3A_143, %get3A_144] {strides = array<i32>} : memref<128x128xf32, #tpu.memory_space<vmem>>, vector<1x16xf32>,
      %get3A_146 = vector.shape_cast %get3A_145 : vector<1x16xf32> to vector<16xf32>
      %add3A_147 = arith.addf %scan3A_124, %get3A_146 : vector<16xf32>
      %mul3A_148 = arith.constant 1 : i32
      %mul3A_149 = arith.muli %scan3A_122, %mul3A_148 : i32
      %add3A_150 = arith.constant 0 : i32
      %add3A_151 = arith.addi %mul3A_149, %add3A_150 : i32
      %get3A_152 = arith.index_cast %add3A_151 : i32 to index
      %get3A_153 = arith.constant 32 : index
      %get3A_154 = tpu.vector_load %arg9[%get3A_152, %get3A_153] {strides = array<i32>} : memref<128x128xf32, #tpu.memory_space<vmem>>, vector<1x16xf32>,
      %get3A_155 = vector.shape_cast %get3A_154 : vector<1x16xf32> to vector<16xf32>
      %add3A_156 = arith.addf %scan3A_125, %get3A_155 : vector<16xf32>
      %mul3A_157 = arith.constant 1 : i32
      %mul3A_158 = arith.muli %scan3A_122, %mul3A_157 : i32
      %add3A_159 = arith.constant 0 : i32
      %add3A_160 = arith.addi %mul3A_158, %add3A_159 : i32
      %get3A_161 = arith.index_cast %add3A_160 : i32 to index
      %get3A_162 = arith.constant 48 : index
      %get3A_163 = tpu.vector_load %arg9[%get3A_161, %get3A_162] {strides = array<i32>} : memref<128x128xf32, #tpu.memory_space<vmem>>, vector<1x16xf32>,
      %get3A_164 = vector.shape_cast %get3A_163 : vector<1x16xf32> to vector<16xf32>
      %add3A_165 = arith.addf %scan3A_126, %get3A_164 : vector<16xf32>
      %mul3A_166 = arith.constant 1 : i32
      %mul3A_167 = arith.muli %scan3A_122, %mul3A_166 : i32
      %add3A_168 = arith.constant 0 : i32
      %add3A_169 = arith.addi %mul3A_167, %add3A_168 : i32
      %get3A_170 = arith.index_cast %add3A_169 : i32 to index
      %get3A_171 = arith.constant 64 : index
      %get3A_172 = tpu.vector_load %arg9[%get3A_170, %get3A_171] {strides = array<i32>} : memref<128x128xf32, #tpu.memory_space<vmem>>, vector<1x16xf32>,
      %get3A_173 = vector.shape_cast %get3A_172 : vector<1x16xf32> to vector<16xf32>
      %add3A_174 = arith.addf %scan3A_127, %get3A_173 : vector<16xf32>
      %mul3A_175 = arith.constant 1 : i32
      %mul3A_176 = arith.muli %scan3A_122, %mul3A_175 : i32
      %add3A_177 = arith.constant 0 : i32
      %add3A_178 = arith.addi %mul3A_176, %add3A_177 : i32
      %get3A_179 = arith.index_cast %add3A_178 : i32 to index
      %get3A_180 = arith.constant 80 : index
      %get3A_181 = tpu.vector_load %arg9[%get3A_179, %get3A_180] {strides = array<i32>} : memref<128x128xf32, #tpu.memory_space<vmem>>, vector<1x16xf32>,
      %get3A_182 = vector.shape_cast %get3A_181 : vector<1x16xf32> to vector<16xf32>
      %add3A_183 = arith.addf %scan3A_128, %get3A_182 : vector<16xf32>
      %mul3A_184 = arith.constant 1 : i32
      %mul3A_185 = arith.muli %scan3A_122, %mul3A_184 : i32
      %add3A_186 = arith.constant 0 : i32
      %add3A_187 = arith.addi %mul3A_185, %add3A_186 : i32
      %get3A_188 = arith.index_cast %add3A_187 : i32 to index
      %get3A_189 = arith.constant 96 : index
      %get3A_190 = tpu.vector_load %arg9[%get3A_188, %get3A_189] {strides = array<i32>} : memref<128x128xf32, #tpu.memory_space<vmem>>, vector<1x16xf32>,
      %get3A_191 = vector.shape_cast %get3A_190 : vector<1x16xf32> to vector<16xf32>
      %add3A_192 = arith.addf %scan3A_129, %get3A_191 : vector<16xf32>
      %mul3A_193 = arith.constant 1 : i32
      %mul3A_194 = arith.muli %scan3A_122, %mul3A_193 : i32
      %add3A_195 = arith.constant 0 : i32
      %add3A_196 = arith.addi %mul3A_194, %add3A_195 : i32
      %get3A_197 = arith.index_cast %add3A_196 : i32 to index
      %get3A_198 = arith.constant 112 : index
      %get3A_199 = tpu.vector_load %arg9[%get3A_197, %get3A_198] {strides = array<i32>} : memref<128x128xf32, #tpu.memory_space<vmem>>, vector<1x16xf32>,
      %get3A_200 = vector.shape_cast %get3A_199 : vector<1x16xf32> to vector<16xf32>
      %add3A_201 = arith.addf %scan3A_130, %get3A_200 : vector<16xf32>
      scf.yield %add3A_138, %add3A_147, %add3A_156, %add3A_165, %add3A_174, %add3A_183, %add3A_192, %add3A_201 : vector<16xf32>, vector<16xf32>, vector<16xf32>, vector<16xf32>, vector<16xf32>, vector<16xf32>, vector<16xf32>, vector<16xf32>
    }
    %scan3A_90 = arith.constant 128 : i32
    %swap3A = arith.constant 0 : index
    %swap3A_91 = tpu.vector_load %arg10[%swap3A] {strides = array<i32>} : memref<128xf32, #tpu.memory_space<vmem>>, vector<16xf32>,
    %swap3A_92 = vector.shape_cast %swap3A_91 : vector<16xf32> to vector<16xf32>
    %swap3A_93 = vector.shape_cast %scan3A_89#0 : vector<16xf32> to vector<16xf32>
    tpu.vector_store %arg10[%swap3A], %swap3A_93 {strides = array<i32>} : memref<128xf32, #tpu.memory_space<vmem>>, vector<16xf32>,
    %swap3A_94 = arith.constant 16 : index
    %swap3A_95 = tpu.vector_load %arg10[%swap3A_94] {strides = array<i32>} : memref<128xf32, #tpu.memory_space<vmem>>, vector<16xf32>,
    %swap3A_96 = vector.shape_cast %swap3A_95 : vector<16xf32> to vector<16xf32>
    %swap3A_97 = vector.shape_cast %scan3A_89#1 : vector<16xf32> to vector<16xf32>
    tpu.vector_store %arg10[%swap3A_94], %swap3A_97 {strides = array<i32>} : memref<128xf32, #tpu.memory_space<vmem>>, vector<16xf32>,
    %swap3A_98 = arith.constant 32 : index
    %swap3A_99 = tpu.vector_load %arg10[%swap3A_98] {strides = array<i32>} : memref<128xf32, #tpu.memory_space<vmem>>, vector<16xf32>,
    %swap3A_100 = vector.shape_cast %swap3A_99 : vector<16xf32> to vector<16xf32>
    %swap3A_101 = vector.shape_cast %scan3A_89#2 : vector<16xf32> to vector<16xf32>
    tpu.vector_store %arg10[%swap3A_98], %swap3A_101 {strides = array<i32>} : memref<128xf32, #tpu.memory_space<vmem>>, vector<16xf32>,
    %swap3A_102 = arith.constant 48 : index
    %swap3A_103 = tpu.vector_load %arg10[%swap3A_102] {strides = array<i32>} : memref<128xf32, #tpu.memory_space<vmem>>, vector<16xf32>,
    %swap3A_104 = vector.shape_cast %swap3A_103 : vector<16xf32> to vector<16xf32>
    %swap3A_105 = vector.shape_cast %scan3A_89#3 : vector<16xf32> to vector<16xf32>
    tpu.vector_store %arg10[%swap3A_102], %swap3A_105 {strides = array<i32>} : memref<128xf32, #tpu.memory_space<vmem>>, vector<16xf32>,
    %swap3A_106 = arith.constant 64 : index
    %swap3A_107 = tpu.vector_load %arg10[%swap3A_106] {strides = array<i32>} : memref<128xf32, #tpu.memory_space<vmem>>, vector<16xf32>,
    %swap3A_108 = vector.shape_cast %swap3A_107 : vector<16xf32> to vector<16xf32>
    %swap3A_109 = vector.shape_cast %scan3A_89#4 : vector<16xf32> to vector<16xf32>
    tpu.vector_store %arg10[%swap3A_106], %swap3A_109 {strides = array<i32>} : memref<128xf32, #tpu.memory_space<vmem>>, vector<16xf32>,
    %swap3A_110 = arith.constant 80 : index
    %swap3A_111 = tpu.vector_load %arg10[%swap3A_110] {strides = array<i32>} : memref<128xf32, #tpu.memory_space<vmem>>, vector<16xf32>,
    %swap3A_112 = vector.shape_cast %swap3A_111 : vector<16xf32> to vector<16xf32>
    %swap3A_113 = vector.shape_cast %scan3A_89#5 : vector<16xf32> to vector<16xf32>
    tpu.vector_store %arg10[%swap3A_110], %swap3A_113 {strides = array<i32>} : memref<128xf32, #tpu.memory_space<vmem>>, vector<16xf32>,
    %swap3A_114 = arith.constant 96 : index
    %swap3A_115 = tpu.vector_load %arg10[%swap3A_114] {strides = array<i32>} : memref<128xf32, #tpu.memory_space<vmem>>, vector<16xf32>,
    %swap3A_116 = vector.shape_cast %swap3A_115 : vector<16xf32> to vector<16xf32>
    %swap3A_117 = vector.shape_cast %scan3A_89#6 : vector<16xf32> to vector<16xf32>
    tpu.vector_store %arg10[%swap3A_114], %swap3A_117 {strides = array<i32>} : memref<128xf32, #tpu.memory_space<vmem>>, vector<16xf32>,
    %swap3A_118 = arith.constant 112 : index
    %swap3A_119 = tpu.vector_load %arg10[%swap3A_118] {strides = array<i32>} : memref<128xf32, #tpu.memory_space<vmem>>, vector<16xf32>,
    %swap3A_120 = vector.shape_cast %swap3A_119 : vector<16xf32> to vector<16xf32>
    %swap3A_121 = vector.shape_cast %scan3A_89#7 : vector<16xf32> to vector<16xf32>
    tpu.vector_store %arg10[%swap3A_118], %swap3A_121 {strides = array<i32>} : memref<128xf32, #tpu.memory_space<vmem>>, vector<16xf32>,
    "tpu.region"() ({
      %run_scoped3A = tpu.sem_alloc : memref<!tpu.dma_semaphore, #tpu.memory_space<semaphore_mem>>
      %dma_start3A_122 = arith.constant 0 : i32
      %dma_start3A_123 = tpu.memref_slice %arg4[%add3A, %dma_start3A_122] : memref<32x128xf32, #tpu.memory_space<hbm>> -> memref<1x128xf32, #tpu.memory_space<hbm>>
      %dma_start3A_124 = tpu.memref_squeeze %dma_start3A_123 : memref<1x128xf32, #tpu.memory_space<hbm>> -> memref<128xf32, #tpu.memory_space<hbm>>
      %dma_start3A_125 = arith.constant 0 : i32
      %dma_start3A_126 = tpu.memref_slice %arg4[%add3A, %dma_start3A_125] : memref<32x128xf32, #tpu.memory_space<hbm>> -> memref<1x128xf32, #tpu.memory_space<hbm>>
      %dma_start3A_127 = tpu.memref_squeeze %dma_start3A_126 : memref<1x128xf32, #tpu.memory_space<hbm>> -> memref<128xf32, #tpu.memory_space<hbm>>
      tpu.enqueue_dma source(%arg10 : memref<128xf32, #tpu.memory_space<vmem>>) target(%dma_start3A_127 : memref<128xf32, #tpu.memory_space<hbm>>) target_semaphore(%run_scoped3A : memref<!tpu.dma_semaphore, #tpu.memory_space<semaphore_mem>>)
      %dma_wait3A_128 = arith.constant 0 : i32
      %dma_wait3A_129 = tpu.memref_slice %arg4[%add3A, %dma_wait3A_128] : memref<32x128xf32, #tpu.memory_space<hbm>> -> memref<1x128xf32, #tpu.memory_space<hbm>>
      %dma_wait3A_130 = tpu.memref_squeeze %dma_wait3A_129 : memref<1x128xf32, #tpu.memory_space<hbm>> -> memref<128xf32, #tpu.memory_space<hbm>>
      %dma_wait3A_131 = arith.constant 0 : i32
      %dma_wait3A_132 = tpu.memref_slice %arg4[%add3A, %dma_wait3A_131] : memref<32x128xf32, #tpu.memory_space<hbm>> -> memref<1x128xf32, #tpu.memory_space<hbm>>
      %dma_wait3A_133 = tpu.memref_squeeze %dma_wait3A_132 : memref<1x128xf32, #tpu.memory_space<hbm>> -> memref<128xf32, #tpu.memory_space<hbm>>
      tpu.wait_dma2 semaphore(%run_scoped3A : memref<!tpu.dma_semaphore, #tpu.memory_space<semaphore_mem>>) src(%arg10 : memref<128xf32, #tpu.memory_space<vmem>>) dst(%dma_wait3A_133 : memref<128xf32, #tpu.memory_space<hbm>>)
      tpu.yield
    }) : () -> ()
    return
  }
}

module attributes {stable_mosaic.version = 14 : i64} {
  func.func @_finish_body(%arg0: memref<32x128xf32, #tpu.memory_space<vmem>>, %arg1: memref<128x128xf32, #tpu.memory_space<vmem>>, %arg2: memref<1x128xf32, #tpu.memory_space<vmem>>) attributes {dimension_semantics = [], scalar_prefetch = 0 : i64, scratch_operands = 0 : i64, tpu.core_type = #tpu.core_type<tc>} {
    %get3A = arith.constant 0 : index
    %get3A_0 = arith.constant 0 : index
    %get3A_1 = vector.load %arg0[%get3A, %get3A_0] : memref<32x128xf32, #tpu.memory_space<vmem>>, vector<32x128xf32>
    %reduce_sum3A = arith.constant dense<0.000000e+00> : vector<128xf32>
    %reduce_sum3A_2 = vector.multi_reduction <add>, %get3A_1, %reduce_sum3A [0] : vector<32x128xf32> to vector<128xf32>
    %broadcast_in_dim3A = vector.shape_cast %reduce_sum3A_2 : vector<128xf32> to vector<1x128xf32>
    %mul3A = arith.constant 6.10351563E-5 : f32
    %mul3A_3 = vector.broadcast %mul3A : f32 to vector<1x128xf32>
    %mul3A_4 = arith.mulf %broadcast_in_dim3A, %mul3A_3 : vector<1x128xf32>
    %get3A_5 = arith.constant 0 : index
    %get3A_6 = arith.constant 0 : index
    %get3A_7 = vector.load %arg1[%get3A_5, %get3A_6] : memref<128x128xf32, #tpu.memory_space<vmem>>, vector<128x128xf32>
    %dot_general3A = arith.constant dense<0.000000e+00> : vector<1x128xf32>
    %dot_general3A_8 = tpu.matmul %mul3A_4, %get3A_7, %dot_general3A {dimension_numbers = #tpu.dot_dimension_numbers<[1], [1], [0], [0], [0, 0, 1, 0], [], []>, transpose_lhs_hint = false} : vector<1x128xf32>, vector<128x128xf32>, vector<1x128xf32> -> vector<1x128xf32>
    %swap3A = arith.constant 0 : index
    %swap3A_9 = arith.constant 0 : index
    %swap3A_10 = vector.load %arg2[%swap3A, %swap3A_9] : memref<1x128xf32, #tpu.memory_space<vmem>>, vector<1x128xf32>
    tpu.vector_store %arg2[%swap3A, %swap3A_9], %dot_general3A_8 {strides = array<i32>} : memref<1x128xf32, #tpu.memory_space<vmem>>, vector<1x128xf32>,
    return
  }
}

</mosaic_0001>

<sc_bundles>
// kernel: kernel.4.cloned.1.call-start
scs
__scs_entry_jumppad:
0x0: {  	(pc) =	sbr.rel $0x88, $3  }
0x1: {  	(tag) =	ssettag $0x0;
	lr =	simm.s32 $0x1  }
0x2: {  	[smem:$0x3F9E] =	sst lr;
	_ =	strace $0xD0000000  }
0x3: {  	_ = 	snop  }
0x4: {  	_ = 	snop  }
0x5: {  	_ = 	snop  }
0x6: {  	_ = 	snop  }
0x7: {  	_ = 	snop  }
__scs_overlays_trampoline_lowered:
0x8: {  	[smem:$0x3FAD] =	sst s0  }
0x9: {  	[smem:$0x3FAE] =	sst s1  }
0xa: {  	[smem:$0x3FAF] =	sst s2  }
0xb: {  	[smem:$0x3FB0] =	sst s3  }
0xc: {  	[smem:$0x3FB1] =	sst s4  }
0xd: {  	[smem:$0x3FB2] =	sst s5  }
0xe: {  	[smem:$0x3FB3] =	sst s6  }
0xf: {  	[smem:$0x3FB4] =	sst s7  }
0x10: {  	[smem:$0x3FB5] =	sst s8  }
0x11: {  	[smem:$0x3FB6] =	sst s9;
	s0 =	simm.s32 @!p0 $0x0  }
0x12: {  	s1 =	sld [smem:$0x3F9C];
	s0 =	simm.s32 @p0 $0x1  }
0x13: {  	[smem:$0x3FB7] =	sst s0;
	s0 =	simm.s32 @!p1 $0x0  }
0x14: {  	s2 =	sld [smem:$0x3F9B];
	s0 =	simm.s32 @p1 $0x1  }
0x15: {  	[smem:$0x3FB8] =	sst s0;
	s0 =	simm.s32 @!p2 $0x0  }
0x16: {  	s3 =	sld [smem:$0x3FDB];
	s0 =	simm.s32 @p2 $0x1  }
0x17: {  	s4 =	simm.s32 $0x1BF5;
	[smem:$0x3FBA] =	sst s0  }
0x18: {  	s0 =	sld [smem:$0x3F9D];
	_ =	swait.ge [sflag:s4], $0x0  }
0x19: {  	s7 =	sld [smem:$0x3F9E]  }
0x1a: {  	s8 =	sadd.s32 $0xFFFFE003, lr  }
0x1b: {  	s9 =	sadd.s32 $0xFFFFFEF7, lr;
	s5 =	simm.s32 $0xFFFFFFFF;
	p2 =	slt.u32 s8, $0xFFFFF086  }
0x1c: {  	p1 =	slt.u32 s9, $0xF7A;
	s5 =	simm.s32 @!p2 $0x0  }
0x1d: {  	s5 =	simm.s32 @p1 $0x1;
	p0 =	seq.s32 s7, s2  }
0x1e: {  	s7 =	smul.u32 @!p0 $0xF7A, s2;
	p2 =	seq.s32 @!p0 s5, $0x0  }
0x1f: {  	s9 =	smul.u32 $0xF7A, s1;
	s8 =	simm.s32 @!p0 $0x1BF5;
	p2 =	por !p2, p0  }
0x20: {  	[sflag:s8] =	ssyncset.s32 @!p0 $0xFFFFF086;
	s6 =	sadd.s32 @!p0 s3, s7;
	s7 =	simm.s32 @!p0 $0x108  }
0x21: {  	s3 =	sadd.s32 s3, s9;
	s6 =	sadd.s32 @!p0 $0x88, s6;
	s7 =	simm.s32 @p2 $0x1082  }
0x22: {  	[simem:s7], [sflag:s8] =	dma.local @!p0 [hbm:s6], $0xF7A  }
0x23: {  	s9 =	sor.u32 $0xD0000000, s2;
	s6 =	simm.s32 $0x108;
	_ =	swait.ge @!p0 [sflag:s8], $0x0  }
0x24: {  	s3 =	sadd.s32 $0x88, s3;
	s6 =	simm.s32 @!p1 $0x1082;
	[sflag:s4] =	ssyncset.s32 $0xFFFFF086  }
0x25: {  	[simem:s6], [sflag:s4] =	dma.local [hbm:s3], $0xF7A  }
0x26: {  	[smem:$0x3F9E] =	sst s1;
	(tag) =	ssettag s2;
	_ =	strace s9  }
0x27: {  	s1 =	sld [smem:$0x3FAE]  }
0x28: {  	s2 =	sld [smem:$0x3FAF]  }
0x29: {  	s4 =	sld [smem:$0x3FB1]  }
0x2a: {  	p0 =	seq.s32 s5, $0x0;
	s5 =	sld [smem:$0x3FB2]  }
0x2b: {  	s6 =	sld [smem:$0x3FB3]  }
0x2c: {  	s7 =	sld [smem:$0x3FB4]  }
0x2d: {  	s3 =	simm.s32 $0x108;
	s8 =	sld [smem:$0x3FB5]  }
0x2e: {  	s3 =	simm.s32 @!p0 $0x1082;
	s9 =	sld [smem:$0x3FB6]  }
0x2f: {  	lr =	sadd.s32 s0, s3;
	s0 =	sld [smem:$0x3FAD]  }
0x30: {  	s3 =	sld [smem:$0x3FB0]  }
0x31: {  	[smem:$0x3FB9] =	sst s10  }
0x32: {  	s10 =	sld [smem:$0x3FB7];
	_ =	sdelay $0x3  }
0x33: {  	p0 =	seq.s32 s10, $0x1;
	s10 =	sld [smem:$0x3FB9];
	_ =	sdelay $0x3  }
0x34: {  	[smem:$0x3FB9] =	sst s10  }
0x35: {  	s10 =	sld [smem:$0x3FB8];
	_ =	sdelay $0x3  }
0x36: {  	p1 =	seq.s32 s10, $0x1;
	s10 =	sld [smem:$0x3FB9];
	_ =	sdelay $0x3  }
0x37: {  	[smem:$0x3FB9] =	sst s10  }
0x38: {  	s10 =	sld [smem:$0x3FBA]  }
0x39: {  	_ = 	snop;
	(pc) =	sbr.ind lr, $3  }
0x3a: {  	_ = 	snop  }
0x3b: {  	_ = 	snop  }
0x3c: {  	p2 =	seq.s32 s10, $0x1;
	s10 =	sld [smem:$0x3FB9]  }
0x3d: {  	_ =	shalt  }
0x3e: {  	_ =	shalt  }
0x3f: {  	_ =	shalt  }
0x40: {  	_ =	shalt  }
0x41: {  	_ =	shalt  }
0x42: {  	_ =	shalt  }
0x43: {  	_ =	shalt  }
0x44: {  	_ =	shalt  }
0x45: {  	_ =	shalt  }
0x46: {  	_ =	shalt  }
0x47: {  	_ =	shalt  }
0x48: {  	_ =	shalt  }
0x49: {  	_ =	shalt  }
0x4a: {  	_ =	shalt  }
0x4b: {  	_ =	shalt  }
0x4c: {  	_ =	shalt  }
0x4d: {  	_ =	shalt  }
0x4e: {  	_ =	shalt  }
0x4f: {  	_ =	shalt  }
0x50: {  	_ =	shalt  }
0x51: {  	_ =	shalt  }
0x52: {  	_ =	shalt  }
0x53: {  	_ =	shalt  }
0x54: {  	_ =	shalt  }
0x55: {  	_ =	shalt  }
0x56: {  	_ =	shalt  }
0x57: {  	_ =	shalt  }
0x58: {  	_ =	shalt  }
0x59: {  	_ =	shalt  }
0x5a: {  	_ =	shalt  }
0x5b: {  	_ =	shalt  }
0x5c: {  	_ =	shalt  }
0x5d: {  	_ =	shalt  }
0x5e: {  	_ =	shalt  }
0x5f: {  	_ =	shalt  }
0x60: {  	_ =	shalt  }
0x61: {  	_ =	shalt  }
0x62: {  	_ =	shalt  }
0x63: {  	_ =	shalt  }
0x64: {  	_ =	shalt  }
0x65: {  	_ =	shalt  }
0x66: {  	_ =	shalt  }
0x67: {  	_ =	shalt  }
0x68: {  	_ =	shalt  }
0x69: {  	_ =	shalt  }
0x6a: {  	_ =	shalt  }
0x6b: {  	_ =	shalt  }
0x6c: {  	_ =	shalt  }
0x6d: {  	_ =	shalt  }
0x6e: {  	_ =	shalt  }
0x6f: {  	_ =	shalt  }
0x70: {  	_ =	shalt  }
0x71: {  	_ =	shalt  }
0x72: {  	_ =	shalt  }
0x73: {  	_ =	shalt  }
0x74: {  	_ =	shalt  }
0x75: {  	_ =	shalt  }
0x76: {  	_ =	shalt  }
0x77: {  	_ =	shalt  }
0x78: {  	_ =	shalt  }
0x79: {  	_ =	shalt  }
0x7a: {  	_ =	shalt  }
0x7b: {  	_ =	shalt  }
0x7c: {  	_ =	shalt  }
0x7d: {  	_ =	shalt  }
0x7e: {  	_ =	shalt  }
0x7f: {  	_ =	shalt  }
0x80: {  	_ =	shalt  }
0x81: {  	_ =	shalt  }
0x82: {  	_ =	shalt  }
0x83: {  	_ =	shalt  }
0x84: {  	_ =	shalt  }
0x85: {  	_ =	shalt  }
0x86: {  	_ =	shalt  }
0x87: {  	_ =	shalt  }
.Lfunc_end0:
.L_simem_size_0:
called_computation_lowered:
.L_overlay_start_0:
0x88: {  	s2 =	sld [smem:$0x3FD9]  }
0x89: {  	s3 =	sld [smem:$0x3FFE];
	_ =	sdelay $0x1  }
0x8a: {  	s1 =	srdreg.scid  }
0x8b: {  	s0 =	sand.u32 $0x1, s1  }
0x8c: {  	s17 =	sshll.u32 s0, $0xA;
	s2 =	sadd.s32 s3, s2  }
0x8d: {  	s2 =	sadd.s32 s2, s17  }
0x8e: {  	[smem:$0x3FC5] =	sst s2  }
0x8f: {  	_ = 	snop  }
0x90: {  	s2 =	sld [smem:$0x3FC9]  }
0x91: {  	s18 =	sld [smem:$0x3FC8];
	(tm) =	ssettm $0x1  }
0x92: {  	s4 =	sld [smem:$0x3FFB];
	_ =	sdelay $0x3  }
0x93: {  	_ =	strace s4  }
0x94: {  	s4 =	sld [smem:$0x3FFC];
	_ =	sdelay $0x3  }
0x95: {  	_ =	strace s4  }
0x96: {  	s4 =	sld [smem:$0x3FFD];
	_ =	sdelay $0x3  }
0x97: {  	_ =	strace s4  }
0x98: {  	_ =	strace $0x8FFFFFFF  }
0x99: {  	s19 =	sld [smem:$0x3FDB];
	_ =	sdelay $0x1  }
0x9a: {  	s5 =	simm.s32 $_scs_section_size  }
0x9b: {  	s6 =	simm.s32 $_size__tile_overlayer_lowered;
	s7 =	simm.s32 $_tile_overlayer_lowered  }
0x9c: {  	s22 =	simm.s32 $0x1BFF;
	s21 =	sshll.u32 s7, $0x1;
	s4 =	sadd.s32 s5, s19  }
0x9d: {  	s8 =	simm.s32 $0x0;
	s20 =	sshll.u32 s6, $0x1;
	s6 =	sadd.s32 s21, s4  }
0x9e: {  	[timem:s8], [sflag:s22] =	dma.local [hbm:s6], s20  }
0x9f: {  	_ =	swait.ge [sflag:s22], s20  }
0xa0: {  	s5 =	ssub.s32 $0x0, s20;
	[sflag:s22] =	ssyncset.done $0x0  }
0xa1: {  	[sflag:s22] =	ssyncadd.s32 s5;
	_ =	sdelay $0x1  }
0xa2: {  	s23 =	simm.s32 $0x1B8B  }
0xa3: {  	_ =	swait.ge [sflag:s23], $0x1  }
0xa4: {  	[sflag:s23] =	ssyncset.done $0x0  }
0xa5: {  	s25 =	simm.s32 $0x1B8E;
	s24 =	sld [smem:$0x3FFE];
	[sflag:s23] =	ssyncadd.s32 $0xFFFFFFFF  }
0xa6: {  	s26 =	simm.s32 $execute0_lowered;
	[smem:$0x3FD2] =	sst s25  }
0xa7: {  	s6 =	sshll.u32 s26, $0x1;
	_ =	strace $0x80000046;
	[dreg:$0x1] =	wrdreg $0xFFFFFFFF  }
0xa8: {  	s28 =	simm.s32 $_size_execute0_lowered;
	s4 =	sadd.s32 s4, s6;
	[dreg:$0x0] =	wrdreg $0x0  }
0xa9: {  	s6 =	sshll.u32 s28, $0x1;
	[dreg:$0x2] =	wrdreg s4  }
0xaa: {  	[dreg:$0x3] =	wrdreg s6  }
0xab: {  	[dreg:$0x4] =	wrdreg $0xC0  }
0xac: {  	_ =	task [dreg:s8], $0x5FFFF  }
0xad: {  	[dreg:$0x1] =	wrdreg $0xFFFFFFFF  }
0xae: {  	[dreg:$0x0] =	wrdreg $0x60  }
0xaf: {  	[dreg:$0x2] =	wrdreg s2  }
0xb0: {  	[dreg:$0x3] =	wrdreg s18  }
0xb1: {  	[dreg:$0x4] =	wrdreg s24  }
0xb2: {  	[dreg:$0x5] =	wrdreg $0x9  }
0xb3: {  	_ =	task.clear_ibuf [dreg:s8], $0x6FFFF;
	_ =	strace $0x90000046  }
0xb4: {  	s29 =	simm.s32 $0x9;
	_ =	strace $0x80000048  }
0xb5: {  	_ =	swait.ge [sflag:s29], $0x1  }
0xb6: {  	[sflag:s29] =	ssyncadd.s32 $0xFFFFFFFF  }
0xb7: {  	_ =	strace $0x90000048  }
0xb8: {  	_ =	sfence  }
0xb9: {  	s30 =	sld [smem:$0x0];
	_ =	sdelay $0x2  }
0xba: {  	s31 =	sshll.u32 s1, $0xD;
	s1 =	sshrl.u32 s1, $0x2  }
0xbb: {  	s3 =	sand.u32 $0x4000, s31;
	s1 =	sadd.s32 s1, s30  }
0xbc: {  	s0 =	sor.u32 s3, s0;
	s1 =	sshll.u32 s1, $0x11  }
0xbd: {  	s0 =	sor.u32 s1, s0  }
0xbe: {  	s0 =	sadd.s32 $0x8F2B, s0  }
0xbf: {  	[sflag:s0] =	ssyncadd.remote.s32 $0x1  }
0xc0: {  	_ =	sfence.sel $0xFFFF  }
0xc1: {  	[dreg:$0x0] =	wrdreg $0xFFFFFFFF;
	(pc) =	sbr.abs _section_cstart, $3  }
0xc2: {  	[dreg:$0x1] =	wrdreg $0xFFFFFFFF  }
0xc3: {  	_ =	task.clear_ibuf [dreg:s8], $0x2FFFF;
	_ =	strace $0x9FFFFFFF  }
0xc4: {  	(tm) =	ssettm $0x7FFFFFFF  }
0xc5: {  	_ =	shalt  }
tec
execute0_lowered:
.L_overlay_start_1:
0x0: {  	(tag) =	ssettag $0x1  }
0x1: {  	s4 =	rddreg [dreg:$0x0]  }
0x2: {  	s2 =	rddreg [dreg:$0x1]  }
0x3: {  	s5 =	rddreg [dreg:$0x2]  }
0x4: {  	s0 =	rddreg [dreg:$0x3];
	s6 =	srdreg.scid  }
0x5: {  	s1 =	stileid.u32;
	s3 =	simm.s32 $0x0;
	s10 =	simm.s32 $0x200  }
0x6: {  	s11 =	simm.s32 $0x6;
	s12 =	simm.s32 $0x4200;
	s13 =	simm.s32 $0x100  }
0x7: {  	s14 =	simm.s32 $0x8200;
	s15 =	simm.s32 $0x1;
	s16 =	simm.s32 $0x180  }
0x8: {  	s17 =	simm.s32 $0xC200;
	s18 =	simm.s32 $0x2;
	s19 =	simm.s32 $0x3  }
0x9: {  	s20 =	simm.s32 $0x4;
	s21 =	simm.s32 $0x10200;
	s22 =	simm.s32 $0x7  }
0xa: {  	s6 =	sand.u32 $0x1, s6;
	s7 =	sshll.u32 s1, $0x1;
	[smem:$0x7FF] =	sst s3  }
0xb: {  	s23 =	simm.s32 $0x0;
	s7 =	sor.u32 s6, s7;
	_ =	strace $0x80000047  }
0xc: {  	s6 =	ssub.s32 $0x2, s6;
	s8 =	sshll.u32 s7, $0x6;
	s7 =	sshll.u32 s7, $0x4  }
0xd: {  	s9 =	sshrl.u32 s6, $0x1;
	s4 =	sadd.s32 s4, s8;
	s7 =	sadd.s32 s7, s5  }
0xe: {  	s31 =	ssub.s32 s6, s9;
	s8 =	simm.s32 $0x80;
	s9 =	simm.s32 $0x5  }
0xf: {  	s5 =	sadd.s32 $0x10, s4;
	s6 =	sadd.s32 $0x800, s7;
	s7 =	smax.u32 s31, $0x1  }
.LBB2_1:
0x10: {  	[tilespmem:s3], [sflag:$0x5] =	stream.linear.gather [hbm4b:s4+s3], $0x80, $0x38;
	[tilespmem:$0x10280] =	vst v63  }
0x11: {  	_ = 	snop  }
0x12: {  	[tilespmem:s8], [sflag:$0x6] =	stream.linear.gather [hbm4b:s5+s3], $0x180, $0x38;
	[tilespmem:$0x10280] =	vst v63  }
0x13: {  	_ =	swait.ge [sflag:s9], $0x80  }
0x14: {  	[sflag:s9] =	ssyncset.done $0x0  }
0x15: {  	[sflag:s9] =	ssyncadd.s32 $0xFFFFFF80  }
0x16: {  	[tilespmem:s10], [sflag:$0x1] =	stream.indirect.gather [hbm4b:s2+s8], $0x80, s3, s8, $0xb8;
	[tilespmem:$0x10280] =	vst v63  }
0x17: {  	_ =	swait.ge [sflag:s11], $0x180  }
0x18: {  	[sflag:s11] =	ssyncset.done $0x0  }
0x19: {  	[sflag:s11] =	ssyncadd.s32 $0xFFFFFE80  }
0x1a: {  	[tilespmem:s12], [sflag:$0x2] =	stream.indirect.gather [hbm4b:s2+s8], $0x80, s8, s8, $0xb8;
	[tilespmem:$0x10280] =	vst v63  }
0x1b: {  	_ = 	snop  }
0x1c: {  	[tilespmem:s14], [sflag:$0x3] =	stream.indirect.gather [hbm4b:s2+s8], $0x80, s13, s8, $0xb8;
	[tilespmem:$0x10280] =	vst v63  }
0x1d: {  	_ =	swait.ge [sflag:s15], $0x4000  }
0x1e: {  	[sflag:s15] =	ssyncset.done $0x0  }
0x1f: {  	s26 =	simm.s32 $0x0;
	[sflag:s15] =	ssyncadd.s32 $0xFFFFC000  }
0x20: {  	[tilespmem:s17], [sflag:$0x4] =	stream.indirect.gather [hbm4b:s2+s8], $0x80, s16, s8, $0xb8;
	[tilespmem:$0x10280] =	vst v63  }
0x21: {  	v0 =	vld [tilespmem:s26+$0x270]  }
0x22: {  	v2 =	vld [tilespmem:s26+$0x200]  }
0x23: {  	v4 =	vld [tilespmem:s26+$0x210]  }
0x24: {  	v5 =	vld [tilespmem:s26+$0x220]  }
0x25: {  	v8 =	vld [tilespmem:s26+$0x230]  }
0x26: {  	v3 =	vimm.f32 $0.0e+00;
	v9 =	vimm.f32 $0.0e+00;
	v6 =	vld [tilespmem:s26+$0x240]  }
0x27: {  	v10 =	vimm.f32 $0.0e+00;
	v7 =	vimm.f32 $0.0e+00;
	v11 =	vld [tilespmem:s26+$0x250];
	v1 =	vadd.f32 v0, v3  }
0x28: {  	s24 =	simm.s32 $0x80;
	s25 =	simm.s32 $0x400;
	v12 =	vld [tilespmem:s26+$0x260];
	v0 =	vadd.f32 v2, v3;
	v2 =	vadd.f32 v4, v3;
	v4 =	vimm.f32 $0.0e+00  }
.LBB2_2:
0x29: {  	p0 =	sne.s32 s25, $0xFE00;
	v13 =	vld [tilespmem:s24+$0x270];
	v3 =	vadd.f32 v5, v3  }
0x2a: {  	v14 =	vld [tilespmem:s24+$0x200];
	v4 =	vadd.f32 v8, v4  }
0x2b: {  	v15 =	vld [tilespmem:s24+$0x210];
	v9 =	vadd.f32 v6, v9  }
.Ltmp0:
0x2c: {  	v5 =	vld [tilespmem:s24+$0x220];
	v10 =	vadd.f32 v11, v10;
	(pc) =	sbr.rel @p0 .LBB2_2-.Ltmp0, $4  }
0x2d: {  	v8 =	vld [tilespmem:s24+$0x230];
	v7 =	vadd.f32 v12, v7  }
0x2e: {  	v6 =	vld [tilespmem:s24+$0x240];
	v1 =	vadd.f32 v13, v1  }
0x2f: {  	v0 =	vadd.f32 v14, v0;
	v11 =	vld [tilespmem:s24+$0x250]  }
0x30: {  	v2 =	vadd.f32 v15, v2;
	v12 =	vld [tilespmem:s24+$0x260];
	s24 =	sshra.s32 s25, $0x2;
	s25 =	sadd.s32 $0x200, s25  }
0x31: {  	v13 =	vld [tilespmem:s24+$0x270]  }
0x32: {  	v14 =	vld [tilespmem:s24+$0x200]  }
0x33: {  	v15 =	vld [tilespmem:s24+$0x210]  }
0x34: {  	v16 =	vld [tilespmem:s24+$0x220]  }
0x35: {  	v17 =	vld [tilespmem:s24+$0x230]  }
0x36: {  	v18 =	vld [tilespmem:s24+$0x240]  }
0x37: {  	v19 =	vld [tilespmem:s24+$0x250]  }
0x38: {  	v20 =	vld [tilespmem:s24+$0x260];
	_ =	swait.ge [sflag:s18], $0x4000  }
0x39: {  	[sflag:s18] =	ssyncset.done $0x0  }
0x3a: {  	s26 =	simm.s32 $0x0;
	[sflag:s18] =	ssyncadd.s32 $0xFFFFC000  }
0x3b: {  	v3 =	vadd.f32 v5, v3;
	v4 =	vadd.f32 v8, v4;
	v5 =	vld [tilespmem:s26+$0x4270]  }
0x3c: {  	v6 =	vadd.f32 v6, v9;
	v10 =	vadd.f32 v11, v10;
	v21 =	vld [tilespmem:s26+$0x4200]  }
0x3d: {  	v7 =	vadd.f32 v12, v7;
	v12 =	vld [tilespmem:s26+$0x4210];
	v11 =	vadd.f32 v13, v1  }
0x3e: {  	v8 =	vld [tilespmem:s26+$0x4220];
	v13 =	vadd.f32 v14, v0;
	v14 =	vadd.f32 v15, v2  }
0x3f: {  	v9 =	vld [tilespmem:s26+$0x4230];
	v0 =	vadd.f32 v16, v3;
	v1 =	vadd.f32 v17, v4  }
0x40: {  	v2 =	vadd.f32 v18, v6;
	v3 =	vadd.f32 v19, v10;
	v10 =	vld [tilespmem:s26+$0x4240]  }
0x41: {  	v4 =	vadd.f32 v20, v7;
	v5 =	vadd.f32 v5, v11;
	v11 =	vld [tilespmem:s26+$0x4250]  }
0x42: {  	s24 =	simm.s32 $0x80;
	s25 =	simm.s32 $0x400;
	v6 =	vadd.f32 v21, v13;
	v7 =	vadd.f32 v12, v14;
	v12 =	vld [tilespmem:s26+$0x4260]  }
.LBB2_4:
0x43: {  	p0 =	sne.s32 s25, $0xFE00;
	v13 =	vld [tilespmem:s24+$0x4270];
	v0 =	vadd.f32 v8, v0  }
0x44: {  	v14 =	vld [tilespmem:s24+$0x4200];
	v1 =	vadd.f32 v9, v1  }
0x45: {  	v15 =	vld [tilespmem:s24+$0x4210];
	v2 =	vadd.f32 v10, v2  }
.Ltmp1:
0x46: {  	v8 =	vld [tilespmem:s24+$0x4220];
	v3 =	vadd.f32 v11, v3;
	(pc) =	sbr.rel @p0 .LBB2_4-.Ltmp1, $4  }
0x47: {  	v9 =	vld [tilespmem:s24+$0x4230];
	v4 =	vadd.f32 v12, v4  }
0x48: {  	v10 =	vld [tilespmem:s24+$0x4240];
	v5 =	vadd.f32 v13, v5  }
0x49: {  	v6 =	vadd.f32 v14, v6;
	v11 =	vld [tilespmem:s24+$0x4250]  }
0x4a: {  	v7 =	vadd.f32 v15, v7;
	v12 =	vld [tilespmem:s24+$0x4260];
	s24 =	sshra.s32 s25, $0x2;
	s25 =	sadd.s32 $0x200, s25  }
0x4b: {  	v13 =	vld [tilespmem:s24+$0x4270]  }
0x4c: {  	v14 =	vld [tilespmem:s24+$0x4200]  }
0x4d: {  	v15 =	vld [tilespmem:s24+$0x4210]  }
0x4e: {  	v16 =	vld [tilespmem:s24+$0x4220]  }
0x4f: {  	v17 =	vld [tilespmem:s24+$0x4230]  }
0x50: {  	v18 =	vld [tilespmem:s24+$0x4240]  }
0x51: {  	v19 =	vld [tilespmem:s24+$0x4250]  }
0x52: {  	v20 =	vld [tilespmem:s24+$0x4260];
	_ =	swait.ge [sflag:s19], $0x4000  }
0x53: {  	[sflag:s19] =	ssyncset.done $0x0  }
0x54: {  	s26 =	simm.s32 $0x0;
	[sflag:s19] =	ssyncadd.s32 $0xFFFFC000  }
0x55: {  	v0 =	vadd.f32 v8, v0;
	v1 =	vadd.f32 v9, v1;
	v21 =	vld [tilespmem:s26+$0x8270]  }
0x56: {  	v2 =	vadd.f32 v10, v2;
	v3 =	vadd.f32 v11, v3;
	v22 =	vld [tilespmem:s26+$0x8200]  }
0x57: {  	v4 =	vadd.f32 v12, v4;
	v12 =	vld [tilespmem:s26+$0x8210];
	v5 =	vadd.f32 v13, v5  }
0x58: {  	v8 =	vld [tilespmem:s26+$0x8220];
	v6 =	vadd.f32 v14, v6;
	v7 =	vadd.f32 v15, v7  }
0x59: {  	v9 =	vld [tilespmem:s26+$0x8230];
	v0 =	vadd.f32 v16, v0;
	v1 =	vadd.f32 v17, v1  }
0x5a: {  	v10 =	vld [tilespmem:s26+$0x8240];
	v2 =	vadd.f32 v18, v2;
	v3 =	vadd.f32 v19, v3  }
0x5b: {  	v11 =	vld [tilespmem:s26+$0x8250];
	v4 =	vadd.f32 v20, v4;
	v5 =	vadd.f32 v21, v5  }
0x5c: {  	s24 =	simm.s32 $0x80;
	s25 =	simm.s32 $0x400;
	v6 =	vadd.f32 v22, v6;
	v7 =	vadd.f32 v12, v7;
	v12 =	vld [tilespmem:s26+$0x8260]  }
.LBB2_6:
0x5d: {  	p0 =	sne.s32 s25, $0xFE00;
	v13 =	vld [tilespmem:s24+$0x8270];
	v0 =	vadd.f32 v8, v0  }
0x5e: {  	v14 =	vld [tilespmem:s24+$0x8200];
	v1 =	vadd.f32 v9, v1  }
0x5f: {  	v15 =	vld [tilespmem:s24+$0x8210];
	v2 =	vadd.f32 v10, v2  }
.Ltmp2:
0x60: {  	v8 =	vld [tilespmem:s24+$0x8220];
	v3 =	vadd.f32 v11, v3;
	(pc) =	sbr.rel @p0 .LBB2_6-.Ltmp2, $4  }
0x61: {  	v9 =	vld [tilespmem:s24+$0x8230];
	v4 =	vadd.f32 v12, v4  }
0x62: {  	v10 =	vld [tilespmem:s24+$0x8240];
	v5 =	vadd.f32 v13, v5  }
0x63: {  	v6 =	vadd.f32 v14, v6;
	v11 =	vld [tilespmem:s24+$0x8250]  }
0x64: {  	v7 =	vadd.f32 v15, v7;
	v12 =	vld [tilespmem:s24+$0x8260];
	s24 =	sshra.s32 s25, $0x2;
	s25 =	sadd.s32 $0x200, s25  }
0x65: {  	v13 =	vld [tilespmem:s24+$0x8270]  }
0x66: {  	v14 =	vld [tilespmem:s24+$0x8200]  }
0x67: {  	v15 =	vld [tilespmem:s24+$0x8210]  }
0x68: {  	v16 =	vld [tilespmem:s24+$0x8220]  }
0x69: {  	v17 =	vld [tilespmem:s24+$0x8230]  }
0x6a: {  	v18 =	vld [tilespmem:s24+$0x8240]  }
0x6b: {  	v19 =	vld [tilespmem:s24+$0x8250]  }
0x6c: {  	v20 =	vld [tilespmem:s24+$0x8260];
	_ =	swait.ge [sflag:s20], $0x4000  }
0x6d: {  	[sflag:s20] =	ssyncset.done $0x0  }
0x6e: {  	s26 =	simm.s32 $0x0;
	[sflag:s20] =	ssyncadd.s32 $0xFFFFC000  }
0x6f: {  	v0 =	vadd.f32 v8, v0;
	v1 =	vadd.f32 v9, v1;
	v9 =	vld [tilespmem:s26+$0xC270]  }
0x70: {  	v2 =	vadd.f32 v10, v2;
	v8 =	vadd.f32 v11, v3;
	v10 =	vld [tilespmem:s26+$0xC200]  }
0x71: {  	v11 =	vadd.f32 v12, v4;
	v12 =	vadd.f32 v13, v5;
	v13 =	vld [tilespmem:s26+$0xC210]  }
0x72: {  	v14 =	vadd.f32 v14, v6;
	v15 =	vadd.f32 v15, v7;
	v6 =	vld [tilespmem:s26+$0xC220]  }
0x73: {  	v5 =	vadd.f32 v16, v0;
	v4 =	vadd.f32 v17, v1;
	v7 =	vld [tilespmem:s26+$0xC230]  }
0x74: {  	v3 =	vadd.f32 v18, v2;
	v2 =	vadd.f32 v19, v8;
	v8 =	vld [tilespmem:s26+$0xC240]  }
0x75: {  	v1 =	vadd.f32 v20, v11;
	v0 =	vadd.f32 v9, v12;
	v9 =	vld [tilespmem:s26+$0xC250]  }
0x76: {  	s24 =	simm.s32 $0x80;
	s25 =	simm.s32 $0x400;
	v10 =	vadd.f32 v10, v14;
	v12 =	vld [tilespmem:s26+$0xC260];
	v11 =	vadd.f32 v13, v15  }
.LBB2_8:
0x77: {  	p0 =	sne.s32 s25, $0xFE00;
	v13 =	vld [tilespmem:s24+$0xC270];
	v5 =	vadd.f32 v6, v5  }
0x78: {  	v14 =	vld [tilespmem:s24+$0xC200];
	v4 =	vadd.f32 v7, v4  }
0x79: {  	v15 =	vld [tilespmem:s24+$0xC210];
	v3 =	vadd.f32 v8, v3  }
.Ltmp3:
0x7a: {  	v6 =	vld [tilespmem:s24+$0xC220];
	v2 =	vadd.f32 v9, v2;
	(pc) =	sbr.rel @p0 .LBB2_8-.Ltmp3, $4  }
0x7b: {  	v7 =	vld [tilespmem:s24+$0xC230];
	v1 =	vadd.f32 v12, v1  }
0x7c: {  	v8 =	vld [tilespmem:s24+$0xC240];
	v0 =	vadd.f32 v13, v0  }
0x7d: {  	v10 =	vadd.f32 v14, v10;
	v9 =	vld [tilespmem:s24+$0xC250]  }
0x7e: {  	v11 =	vadd.f32 v15, v11;
	v12 =	vld [tilespmem:s24+$0xC260];
	s24 =	sshra.s32 s25, $0x2;
	s25 =	sadd.s32 $0x200, s25  }
0x7f: {  	v14 =	vld [tilespmem:s24+$0xC200]  }
0x80: {  	v15 =	vld [tilespmem:s24+$0xC210]  }
0x81: {  	v16 =	vld [tilespmem:s24+$0xC220]  }
0x82: {  	v17 =	vld [tilespmem:s24+$0xC230]  }
0x83: {  	v18 =	vld [tilespmem:s24+$0xC240]  }
0x84: {  	v5 =	vadd.f32 v6, v5;
	v61 =	vld [tilespmem:s24+$0xC250];
	v60 =	vadd.f32 v14, v10  }
0x85: {  	v13 =	vld [tilespmem:s24+$0xC270];
	v4 =	vadd.f32 v7, v4;
	v62 =	vadd.f32 v15, v11  }
0x86: {  	v63 =	vld [tilespmem:s24+$0xC260];
	v3 =	vadd.f32 v8, v3;
	v5 =	vadd.f32 v16, v5;
	[tilespmem:$0x10200] =	vst v60  }
0x87: {  	v2 =	vadd.f32 v9, v2;
	v4 =	vadd.f32 v17, v4;
	[tilespmem:$0x10210] =	vst v62  }
0x88: {  	v3 =	vadd.f32 v18, v3;
	[tilespmem:$0x10220] =	vst v5  }
0x89: {  	v1 =	vadd.f32 v12, v1;
	v2 =	vadd.f32 v61, v2;
	[tilespmem:$0x10230] =	vst v4  }
0x8a: {  	v0 =	vadd.f32 v13, v0;
	[tilespmem:$0x10240] =	vst v3  }
0x8b: {  	s23 =	sadd.s32 $0x1, s23;
	v1 =	vadd.f32 v63, v1;
	[tilespmem:$0x10250] =	vst v2  }
0x8c: {  	p0 =	sne.s32 s23, s7;
	[tilespmem:$0x10270] =	vst v0  }
.Ltmp4:
0x8d: {  	[tilespmem:$0x10260] =	vst v1;
	(pc) =	sbr.rel @p0 .LBB2_1-.Ltmp4, $4  }
0x8e: {  	[hbm4b:s6+s3] =	stream.linear.scatter [tilespmem:s21], [sflag:$0x7], $0x80, $0x38;
	[tilespmem:$0x10280] =	vst v63  }
0x8f: {  	_ =	swait.ge [sflag:s22], $0x80  }
0x90: {  	[sflag:s22] =	ssyncset.done $0x0  }
0x91: {  	[sflag:s22] =	ssyncadd.s32 $0xFFFFFF80  }
0x92: {  	_ =	sfence.sel $0x180000  }
0x93: {  	[bflag:$0x0] =	sbarrier.arrive $0xFFFF  }
0x94: {  	p0 =	sne.s32 s1, $0x0;
	_ =	strace $0x90000047  }
0x95: {  	s0 =	sadd.s32 @!p0 $0x100000, s0;
	[bflag:$0x2] =	sbarrier.arrive $0xFFFF  }
0x96: {  	[sflag:s0] =	ssyncadd.tile.s32 @!p0 $0x1;
	_ =	shalt  }
.Lfunc_end2:
_tile_overlayer_lowered:
.L_overlay_start_2:
0x97: {  	(tag) =	ssettag $0x2  }
0x98: {  	s0 =	rddreg [dreg:$0x0];
	s2 =	stileid.u32  }
0x99: {  	s1 =	rddreg [dreg:$0x1];
	p0 =	sne.s32 s2, $0x0  }
0x9a: {  	s3 =	rddreg [dreg:$0x2];
	[bflag:$0x3] =	sbarrier.arrive $0xFFFF;
	s2 =	simm.s32 @!p0 $0x1C07  }
0x9b: {  	[timem:s3], [sflag:s2] =	dma.local @!p0 [hbm:s0], s1  }
0x9c: {  	s0 =	simm.s32 @!p0 $0x7  }
0x9d: {  	_ =	swait.ge @!p0 [sflag:s0], s1  }
0x9e: {  	s1 =	ssub.s32 @!p0 $0x0, s1;
	[sflag:s0] =	ssyncset.done @!p0 $0x0  }
0x9f: {  	[sflag:s0] =	ssyncadd.s32 @!p0 s1  }
0xa0: {  	[bflag:$0x3] =	sbarrier.arrive $0xFFFF  }
0xa1: {  	_ =	shalt  }

</sc_bundles>
